<compile_context>
chip_gen: v7x
topology: tpu7x:2x2x1
jax: 0.10.2.dev20260603
libtpu: 0.0.44.dev20260713+nightly
codegen_flags: <defaults>
</compile_context>

<pallas_src>
import functools

import jax
import jax.numpy as jnp
from jax import lax
from jax.experimental import pallas as pl
from jax.experimental.pallas import tpu as pltpu
from jax.experimental.pallas import tpu_sc as plsc

B, H, W = 2, 224, 224
K, D = 19, 1024
HW = H * W
KP = 32
NW = 32
DG = D // (NW // B)
CHUNK = 512
NVREG = CHUNK // 16


def _cls_kernel(src_ref, ckey_ref, cls_ref):
    s = src_ref[0]
    q = (s * 127.5 + 127.5).astype(jnp.int32)
    qkey = q[0] * 65536 + q[1] * 256 + q[2]
    cls = jnp.full(qkey.shape, K, jnp.int32)
    for k in range(K - 1, -1, -1):
        cls = jnp.where(qkey == ckey_ref[k, 0], k, cls)
    cls_ref[0] = cls


NCH = HW // CHUNK


def _sc_expand_body(featsp, cls_hbm, out_hbm, table_v, cls_v, out_v,
                    sem_in, sem_out):
    c = lax.axis_index("c")
    s = lax.axis_index("s")
    wid = s * 2 + c
    b = wid // (NW // B)
    d0 = (wid % (NW // B)) * DG

    pltpu.sync_copy(featsp.at[pl.ds(d0 * KP, DG * KP)], table_v)
    pltpu.async_copy(cls_hbm.at[b, pl.ds(0, CHUNK)], cls_v.at[0], sem_in)

    def chunk_body(j, carry):
        slot = lax.rem(j, 2)
        p0 = j * CHUNK
        pltpu.make_async_copy(
            cls_hbm.at[b, pl.ds(p0, CHUNK)], cls_v.at[slot], sem_in).wait()

        @pl.when(j + 1 < NCH)
        def _prefetch():
            pltpu.async_copy(cls_hbm.at[b, pl.ds(p0 + CHUNK, CHUNK)],
                             cls_v.at[1 - slot], sem_in)

        @pl.when(j >= 2)
        def _free_out_buf():
            pltpu.make_async_copy(
                out_v.at[slot],
                out_hbm.at[b, pl.ds(d0, DG), pl.ds(p0 - 2 * CHUNK, CHUNK)],
                sem_out).wait()

        @plsc.parallel_loop(0, NVREG, unroll=4)
        def _vregs(i):
            idx = cls_v[slot, pl.ds(i * 16, 16)]
            out_v[slot, 0, pl.ds(i * 16, 16)] = plsc.load_gather(
                table_v, [idx])

        pltpu.async_copy(out_v.at[slot],
                         out_hbm.at[b, pl.ds(d0, DG), pl.ds(p0, CHUNK)],
                         sem_out)
        return carry

    lax.fori_loop(0, NCH, chunk_body, 0)
    for t in range(2):
        pltpu.make_async_copy(
            out_v.at[t],
            out_hbm.at[b, pl.ds(d0, DG), pl.ds(t * CHUNK, CHUNK)],
            sem_out).wait()


def kernel(src, colors, feats):
    src4 = src.reshape(B, 3, HW // 128, 128)
    c = colors.astype(jnp.int32)
    key = c[:, 0] * 65536 + c[:, 1] * 256 + c[:, 2]
    i = jnp.arange(K)
    dup = (key[None, :] == key[:, None]) & (i[:, None] > i[None, :])
    key = jnp.where(dup.any(axis=1), -1, key)
    ckey = jnp.full((KP, 1), -1, jnp.int32).at[:K, 0].set(key)

    cls = pl.pallas_call(
        _cls_kernel,
        grid=(B,),
        in_specs=[
            pl.BlockSpec((1, 3, HW // 128, 128), lambda b: (b, 0, 0, 0)),
            pl.BlockSpec(memory_space=pltpu.SMEM),
        ],
        out_specs=pl.BlockSpec((1, HW // 128, 128), lambda b: (b, 0, 0)),
        out_shape=jax.ShapeDtypeStruct((B, HW // 128, 128), jnp.int32),
    )(src4, ckey).reshape(B, HW)

    feats_pad = jnp.zeros((D, KP), jnp.float32).at[:, :K].set(
        feats.T).reshape(D * KP)

    mesh = plsc.VectorSubcoreMesh(core_axis_name="c", subcore_axis_name="s")
    sc_expand = functools.partial(
        pl.kernel,
        mesh=mesh,
        out_type=jax.ShapeDtypeStruct((B, D, HW), jnp.float32),
        scratch_types=[
            pltpu.VMEM((DG * KP,), jnp.float32),
            pltpu.VMEM((2, CHUNK), jnp.int32),
            pltpu.VMEM((2, DG, CHUNK), jnp.float32),
            pltpu.SemaphoreType.DMA,
            pltpu.SemaphoreType.DMA,
        ],
        compiler_params=pltpu.CompilerParams(needs_layout_passes=False),
    )(_sc_expand_body)

    out = sc_expand(feats_pad, cls)
    return out.reshape(B, D, H, W)

# --- scband reference (transcript-rebuilt; emitter-appended) ---
"""Pipeline reference for scband-cssrc-mapper-23837068493036 (READ-ONLY COPY).

The authoritative reference and input builder live on the scoring server;
editing this copy changes nothing except your own understanding.
"""

import jax, jax.numpy as jnp
import numpy as np

B, H, W = 2, 224, 224
K, D = 19, 1024

def setup_inputs(seed: int = 0) -> dict:
    key = jax.random.key(seed)
    k1, k2, k3 = jax.random.split(key, 3)
    # 19 Cityscapes-style palette colors (random, distinct w.h.p.) and RN50 class feats
    colors = jax.random.randint(k1, (K, 3), 0, 256).astype(jnp.int64)
    feats = jax.random.normal(k2, (K, D), dtype=jnp.float32)
    # Build src as a normalized color-coded segmentation map so the class-color
    # equality test in forward actually fires (mirrors real Cityscapes inputs).
    labels = jax.random.randint(k3, (B, H, W), 0, K)
    col_map = jnp.take(colors, labels, axis=0).astype(jnp.float32)  # [B,H,W,3]
    # +0.4 nudge so truncation via .astype(int) round-trips robustly to the color
    src = ((col_map + 0.4) - 127.5) / 127.5
    src = jnp.transpose(src, (0, 3, 1, 2)).astype(jnp.float32)  # [B,3,H,W]
    return {"src": src, "colors": colors, "feats": feats}

def reference(src, colors, feats):
    # q = (src * 127.5 + 127.5).long()
    q = (src * 127.5 + 127.5).astype(jnp.int64)  # [B,3,H,W]
    # per-class color match over channel dim -> [B,K,H,W]
    match = (q[:, None, :, :, :] == colors[None, :, :, None, None]).all(axis=2)
    any_match = match.any(axis=1)            # [B,H,W]
    cls_idx = jnp.argmax(match, axis=1)      # [B,H,W] (colors are unique -> at most one match)
    feat_map = jnp.take(feats, cls_idx, axis=0)          # gather: [B,H,W,D]
    feat_map = jnp.transpose(feat_map, (0, 3, 1, 2))     # [B,D,H,W]
    # masked overwrite into zero-initialized src_feat (scatter-overwrite semantics)
    src_feat = jnp.where(any_match[:, None, :, :], feat_map.astype(src.dtype), jnp.zeros((), src.dtype))
    return src_feat

if __name__ == "__main__":
    import jax
    _d = setup_inputs()
    print(jax.jit(kernel)(*tuple(_d.values())))

</pallas_src>

<mosaic_0001>
#map = affine_map<(d0, d1) -> (0)>
#map1 = affine_map<(d0, d1) -> (0, 0)>
#map2 = affine_map<(d0, d1) -> (0, 0, 0)>
module attributes {stable_mosaic.version = 14 : i64} {
  func.func @_sc_expand_body(%arg0: i32, %arg1: i32, %arg2: memref<32768xf32, #tpu.memory_space<hbm>>, %arg3: memref<2x50176xi32, #tpu.memory_space<hbm>>, %arg4: memref<2x1024x50176xf32, #tpu.memory_space<hbm>>, %arg5: memref<2048xf32, #tpu.memory_space<vmem>>, %arg6: memref<2x512xi32, #tpu.memory_space<vmem>>, %arg7: memref<2x64x512xf32, #tpu.memory_space<vmem>>, %arg8: memref<!tpu.dma_semaphore, #tpu.memory_space<semaphore_mem>>, %arg9: memref<!tpu.dma_semaphore, #tpu.memory_space<semaphore_mem>>) attributes {dimension_semantics = [#tpu.dimension_semantics<core_parallel>, #tpu.dimension_semantics<subcore_parallel>], iteration_bounds = array<i64: 2, 16>, scalar_prefetch = 0 : i64, scratch_operands = 5 : i64, tpu.core_type = #tpu.core_type<sc_vector_subcore>, window_params = [{transform_indices = #map}, {transform_indices = #map1}, {transform_indices = #map2}]} {
    %mul3A = arith.constant 2 : i32
    %mul3A_0 = arith.muli %arg1, %mul3A : i32
    %add3A = arith.addi %mul3A_0, %arg0 : i32
    %jit3A = arith.constant 16 : i32
    %div3A = arith.divsi %add3A, %jit3A : i32
    %sign3A = arith.constant 0 : i32
    %sign3A_1 = arith.cmpi sgt, %add3A, %sign3A : i32
    %sign3A_2 = arith.extui %sign3A_1 : i1 to i32
    %sign3A_3 = arith.constant 0 : i32
    %sign3A_4 = arith.cmpi slt, %add3A, %sign3A_3 : i32
    %sign3A_5 = arith.extui %sign3A_4 : i1 to i32
    %sign3A_6 = arith.subi %sign3A_2, %sign3A_5 : i32
    %sign3A_7 = arith.constant 0 : i32
    %sign3A_8 = arith.cmpi sgt, %jit3A, %sign3A_7 : i32
    %sign3A_9 = arith.extui %sign3A_8 : i1 to i32
    %sign3A_10 = arith.constant 0 : i32
    %sign3A_11 = arith.cmpi slt, %jit3A, %sign3A_10 : i32
    %sign3A_12 = arith.extui %sign3A_11 : i1 to i32
    %sign3A_13 = arith.subi %sign3A_9, %sign3A_12 : i32
    %ne3A = arith.cmpi ne, %sign3A_6, %sign3A_13 : i32
    %rem3A = arith.remsi %add3A, %jit3A : i32
    %ne3A_14 = arith.constant 0 : i32
    %ne3A_15 = arith.cmpi ne, %rem3A, %ne3A_14 : i32
    %and3A = arith.andi %ne3A, %ne3A_15 : i1
    %sub3A = arith.constant 1 : i32
    %sub3A_16 = arith.subi %div3A, %sub3A : i32
    %select_n3A = arith.select %and3A, %sub3A_16, %div3A : i32
    %jit3A_17 = arith.constant 16 : i32
    %eq3A = arith.constant 0 : i32
    %eq3A_18 = arith.cmpi eq, %jit3A_17, %eq3A : i32
    %jit3A_19 = arith.constant 1 : i32
    %select_n3A_20 = arith.select %eq3A_18, %jit3A_19, %jit3A_17 : i32
    %rem3A_21 = arith.remsi %add3A, %select_n3A_20 : i32
    %ne3A_22 = arith.constant 0 : i32
    %ne3A_23 = arith.cmpi ne, %rem3A_21, %ne3A_22 : i32
    %lt3A = arith.constant 0 : i32
    %lt3A_24 = arith.cmpi slt, %rem3A_21, %lt3A : i32
    %lt3A_25 = arith.constant 0 : i32
    %lt3A_26 = arith.cmpi slt, %select_n3A_20, %lt3A_25 : i32
    %ne3A_27 = arith.xori %lt3A_24, %lt3A_26 : i1
    %and3A_28 = arith.andi %ne3A_27, %ne3A_23 : i1
    %add3A_29 = arith.addi %rem3A_21, %select_n3A_20 : i32
    %select_n3A_30 = arith.select %and3A_28, %add3A_29, %rem3A_21 : i32
    %mul3A_31 = arith.constant 64 : i32
    %mul3A_32 = arith.muli %select_n3A_30, %mul3A_31 : i32
    %mul3A_33 = arith.constant 32 : i32
    %mul3A_34 = arith.muli %mul3A_32, %mul3A_33 : i32
    "tpu.region"() ({
      %run_scoped3A = tpu.sem_alloc : memref<!tpu.dma_semaphore, #tpu.memory_space<semaphore_mem>>
      %dma_start3A_81 = tpu.memref_slice %arg2[%mul3A_34] : memref<32768xf32, #tpu.memory_space<hbm>> -> memref<2048xf32, #tpu.memory_space<hbm>>
      %dma_start3A_82 = tpu.memref_slice %arg2[%mul3A_34] : memref<32768xf32, #tpu.memory_space<hbm>> -> memref<2048xf32, #tpu.memory_space<hbm>>
      tpu.enqueue_dma source(%dma_start3A_82 : memref<2048xf32, #tpu.memory_space<hbm>>) target(%arg5 : memref<2048xf32, #tpu.memory_space<vmem>>) target_semaphore(%run_scoped3A : memref<!tpu.dma_semaphore, #tpu.memory_space<semaphore_mem>>)
      %dma_wait3A_83 = tpu.memref_slice %arg2[%mul3A_34] : memref<32768xf32, #tpu.memory_space<hbm>> -> memref<2048xf32, #tpu.memory_space<hbm>>
      %dma_wait3A_84 = tpu.memref_slice %arg2[%mul3A_34] : memref<32768xf32, #tpu.memory_space<hbm>> -> memref<2048xf32, #tpu.memory_space<hbm>>
      tpu.wait_dma2 semaphore(%run_scoped3A : memref<!tpu.dma_semaphore, #tpu.memory_space<semaphore_mem>>) src(%dma_wait3A_84 : memref<2048xf32, #tpu.memory_space<hbm>>) dst(%arg5 : memref<2048xf32, #tpu.memory_space<vmem>>)
      tpu.yield
    }) : () -> ()
    %dma_start3A = arith.constant 0 : i32
    %dma_start3A_35 = arith.constant 0 : i32
    %dma_start3A_36 = tpu.memref_slice %arg6[%dma_start3A, %dma_start3A_35] : memref<2x512xi32, #tpu.memory_space<vmem>> -> memref<1x512xi32, #tpu.memory_space<vmem>>
    %dma_start3A_37 = tpu.memref_squeeze %dma_start3A_36 : memref<1x512xi32, #tpu.memory_space<vmem>> -> memref<512xi32, #tpu.memory_space<vmem>>
    %dma_start3A_38 = arith.constant 0 : i32
    %dma_start3A_39 = tpu.memref_slice %arg3[%select_n3A, %dma_start3A_38] : memref<2x50176xi32, #tpu.memory_space<hbm>> -> memref<1x512xi32, #tpu.memory_space<hbm>>
    %dma_start3A_40 = tpu.memref_squeeze %dma_start3A_39 : memref<1x512xi32, #tpu.memory_space<hbm>> -> memref<512xi32, #tpu.memory_space<hbm>>
    %dma_start3A_41 = arith.constant 0 : i32
    %dma_start3A_42 = tpu.memref_slice %arg6[%dma_start3A, %dma_start3A_41] : memref<2x512xi32, #tpu.memory_space<vmem>> -> memref<1x512xi32, #tpu.memory_space<vmem>>
    %dma_start3A_43 = tpu.memref_squeeze %dma_start3A_42 : memref<1x512xi32, #tpu.memory_space<vmem>> -> memref<512xi32, #tpu.memory_space<vmem>>
    %dma_start3A_44 = arith.constant 0 : i32
    %dma_start3A_45 = tpu.memref_slice %arg3[%select_n3A, %dma_start3A_44] : memref<2x50176xi32, #tpu.memory_space<hbm>> -> memref<1x512xi32, #tpu.memory_space<hbm>>
    %dma_start3A_46 = tpu.memref_squeeze %dma_start3A_45 : memref<1x512xi32, #tpu.memory_space<hbm>> -> memref<512xi32, #tpu.memory_space<hbm>>
    tpu.enqueue_dma source(%dma_start3A_46 : memref<512xi32, #tpu.memory_space<hbm>>) target(%dma_start3A_43 : memref<512xi32, #tpu.memory_space<vmem>>) target_semaphore(%arg8 : memref<!tpu.dma_semaphore, #tpu.memory_space<semaphore_mem>>)
    %scan3A = arith.constant 0 : i32
    %scan3A_47 = arith.constant 0 : i32
    %scan3A_48 = arith.constant 98 : i32
    %scan3A_49 = arith.addi %scan3A_47, %scan3A_48 : i32
    %scan3A_50 = arith.constant 1 : i32
    scf.for %scan3A_81 = %scan3A_47 to %scan3A_49 step %scan3A_50  : i32 {
      %rem3A_82 = arith.constant 2 : i32
      %rem3A_83 = arith.remsi %scan3A_81, %rem3A_82 : i32
      %mul3A_84 = arith.constant 512 : i32
      %mul3A_85 = arith.muli %scan3A_81, %mul3A_84 : i32
      %dma_wait3A_86 = arith.constant 0 : i32
      %dma_wait3A_87 = tpu.memref_slice %arg6[%rem3A_83, %dma_wait3A_86] : memref<2x512xi32, #tpu.memory_space<vmem>> -> memref<1x512xi32, #tpu.memory_space<vmem>>
      %dma_wait3A_88 = tpu.memref_squeeze %dma_wait3A_87 : memref<1x512xi32, #tpu.memory_space<vmem>> -> memref<512xi32, #tpu.memory_space<vmem>>
      %dma_wait3A_89 = tpu.memref_slice %arg3[%select_n3A, %mul3A_85] : memref<2x50176xi32, #tpu.memory_space<hbm>> -> memref<1x512xi32, #tpu.memory_space<hbm>>
      %dma_wait3A_90 = tpu.memref_squeeze %dma_wait3A_89 : memref<1x512xi32, #tpu.memory_space<hbm>> -> memref<512xi32, #tpu.memory_space<hbm>>
      %dma_wait3A_91 = arith.constant 0 : i32
      %dma_wait3A_92 = tpu.memref_slice %arg6[%rem3A_83, %dma_wait3A_91] : memref<2x512xi32, #tpu.memory_space<vmem>> -> memref<1x512xi32, #tpu.memory_space<vmem>>
      %dma_wait3A_93 = tpu.memref_squeeze %dma_wait3A_92 : memref<1x512xi32, #tpu.memory_space<vmem>> -> memref<512xi32, #tpu.memory_space<vmem>>
      %dma_wait3A_94 = tpu.memref_slice %arg3[%select_n3A, %mul3A_85] : memref<2x50176xi32, #tpu.memory_space<hbm>> -> memref<1x512xi32, #tpu.memory_space<hbm>>
      %dma_wait3A_95 = tpu.memref_squeeze %dma_wait3A_94 : memref<1x512xi32, #tpu.memory_space<hbm>> -> memref<512xi32, #tpu.memory_space<hbm>>
      tpu.wait_dma2 semaphore(%arg8 : memref<!tpu.dma_semaphore, #tpu.memory_space<semaphore_mem>>) src(%dma_wait3A_95 : memref<512xi32, #tpu.memory_space<hbm>>) dst(%dma_wait3A_93 : memref<512xi32, #tpu.memory_space<vmem>>)
      %add3A_96 = arith.constant 1 : i32
      %add3A_97 = arith.addi %scan3A_81, %add3A_96 : i32
      %lt3A_98 = arith.constant 98 : i32
      %lt3A_99 = arith.cmpi slt, %add3A_97, %lt3A_98 : i32
      %convert_element_type3A = arith.extui %lt3A_99 : i1 to i32
      %cond3A = arith.constant 0 : i32
      %cond3A_100 = arith.cmpi ne, %convert_element_type3A, %cond3A : i32
      scf.if %cond3A_100 {
        %add3A_119 = arith.constant 512 : i32
        %add3A_120 = arith.addi %mul3A_85, %add3A_119 : i32
        %sub3A_121 = arith.constant 1 : i32
        %sub3A_122 = arith.subi %sub3A_121, %rem3A_83 : i32
        %dma_start3A_123 = arith.constant 0 : i32
        %dma_start3A_124 = tpu.memref_slice %arg6[%sub3A_122, %dma_start3A_123] : memref<2x512xi32, #tpu.memory_space<vmem>> -> memref<1x512xi32, #tpu.memory_space<vmem>>
        %dma_start3A_125 = tpu.memref_squeeze %dma_start3A_124 : memref<1x512xi32, #tpu.memory_space<vmem>> -> memref<512xi32, #tpu.memory_space<vmem>>
        %dma_start3A_126 = tpu.memref_slice %arg3[%select_n3A, %add3A_120] : memref<2x50176xi32, #tpu.memory_space<hbm>> -> memref<1x512xi32, #tpu.memory_space<hbm>>
        %dma_start3A_127 = tpu.memref_squeeze %dma_start3A_126 : memref<1x512xi32, #tpu.memory_space<hbm>> -> memref<512xi32, #tpu.memory_space<hbm>>
        %dma_start3A_128 = arith.constant 0 : i32
        %dma_start3A_129 = tpu.memref_slice %arg6[%sub3A_122, %dma_start3A_128] : memref<2x512xi32, #tpu.memory_space<vmem>> -> memref<1x512xi32, #tpu.memory_space<vmem>>
        %dma_start3A_130 = tpu.memref_squeeze %dma_start3A_129 : memref<1x512xi32, #tpu.memory_space<vmem>> -> memref<512xi32, #tpu.memory_space<vmem>>
        %dma_start3A_131 = tpu.memref_slice %arg3[%select_n3A, %add3A_120] : memref<2x50176xi32, #tpu.memory_space<hbm>> -> memref<1x512xi32, #tpu.memory_space<hbm>>
        %dma_start3A_132 = tpu.memref_squeeze %dma_start3A_131 : memref<1x512xi32, #tpu.memory_space<hbm>> -> memref<512xi32, #tpu.memory_space<hbm>>
        tpu.enqueue_dma source(%dma_start3A_132 : memref<512xi32, #tpu.memory_space<hbm>>) target(%dma_start3A_130 : memref<512xi32, #tpu.memory_space<vmem>>) target_semaphore(%arg8 : memref<!tpu.dma_semaphore, #tpu.memory_space<semaphore_mem>>)
      } else {
      }
      %ge3A = arith.constant 2 : i32
      %ge3A_101 = arith.cmpi sge, %scan3A_81, %ge3A : i32
      %convert_element_type3A_102 = arith.extui %ge3A_101 : i1 to i32
      %cond3A_103 = arith.constant 0 : i32
      %cond3A_104 = arith.cmpi ne, %convert_element_type3A_102, %cond3A_103 : i32
      scf.if %cond3A_104 {
        %sub3A_119 = arith.constant 1024 : i32
        %sub3A_120 = arith.subi %mul3A_85, %sub3A_119 : i32
        %dma_wait3A_121 = arith.constant 0 : i32
        %dma_wait3A_122 = arith.constant 0 : i32
        %dma_wait3A_123 = tpu.memref_slice %arg7[%rem3A_83, %dma_wait3A_121, %dma_wait3A_122] : memref<2x64x512xf32, #tpu.memory_space<vmem>> -> memref<1x64x512xf32, #tpu.memory_space<vmem>>
        %dma_wait3A_124 = tpu.memref_squeeze %dma_wait3A_123 : memref<1x64x512xf32, #tpu.memory_space<vmem>> -> memref<64x512xf32, #tpu.memory_space<vmem>>
        %dma_wait3A_125 = tpu.memref_slice %arg4[%select_n3A, %mul3A_32, %sub3A_120] : memref<2x1024x50176xf32, #tpu.memory_space<hbm>> -> memref<1x64x512xf32, #tpu.memory_space<hbm>>
        %dma_wait3A_126 = tpu.memref_squeeze %dma_wait3A_125 : memref<1x64x512xf32, #tpu.memory_space<hbm>> -> memref<64x512xf32, #tpu.memory_space<hbm>>
        %dma_wait3A_127 = tpu.memref_slice %arg4[%select_n3A, %mul3A_32, %sub3A_120] : memref<2x1024x50176xf32, #tpu.memory_space<hbm>> -> memref<1x64x512xf32, #tpu.memory_space<hbm>>
        %dma_wait3A_128 = tpu.memref_squeeze %dma_wait3A_127 : memref<1x64x512xf32, #tpu.memory_space<hbm>> -> memref<64x512xf32, #tpu.memory_space<hbm>>
        %dma_wait3A_129 = arith.constant 0 : i32
        %dma_wait3A_130 = arith.constant 0 : i32
        %dma_wait3A_131 = tpu.memref_slice %arg7[%rem3A_83, %dma_wait3A_129, %dma_wait3A_130] : memref<2x64x512xf32, #tpu.memory_space<vmem>> -> memref<1x64x512xf32, #tpu.memory_space<vmem>>
        %dma_wait3A_132 = tpu.memref_squeeze %dma_wait3A_131 : memref<1x64x512xf32, #tpu.memory_space<vmem>> -> memref<64x512xf32, #tpu.memory_space<vmem>>
        tpu.wait_dma2 semaphore(%arg9 : memref<!tpu.dma_semaphore, #tpu.memory_space<semaphore_mem>>) src(%dma_wait3A_132 : memref<64x512xf32, #tpu.memory_space<vmem>>) dst(%dma_wait3A_128 : memref<64x512xf32, #tpu.memory_space<hbm>>)
      } else {
      }
      %parallel_loop3A = arith.constant 0 : i32
      %parallel_loop3A_105 = arith.constant 32 : i32
      %parallel_loop3A_106 = arith.constant 1 : i32
      scf.for %parallel_loop3A_119 = %parallel_loop3A to %parallel_loop3A_105 step %parallel_loop3A_106  : i32 {
        %parallel_loop3A_120 = arith.constant 16 : i32
        %parallel_loop3A_121 = arith.muli %parallel_loop3A_119, %parallel_loop3A_120 : i32
        %parallel_loop3A_122 = arith.index_cast %rem3A_83 : i32 to index
        %parallel_loop3A_123 = arith.index_cast %parallel_loop3A_121 : i32 to index
        %parallel_loop3A_124 = tpu.vector_load %arg6[%parallel_loop3A_122, %parallel_loop3A_123] {strides = array<i32>} : memref<2x512xi32, #tpu.memory_space<vmem>>, vector<16xi32>,
        %parallel_loop3A_125 = tpu.vector_load_idx %arg5[%parallel_loop3A_124] : memref<2048xf32, #tpu.memory_space<vmem>>[vector<16xi32>], vector<16xf32>,
        %parallel_loop3A_126 = arith.constant 16 : i32
        %parallel_loop3A_127 = arith.muli %parallel_loop3A_119, %parallel_loop3A_126 : i32
        %parallel_loop3A_128 = arith.constant 0 : i32
        %parallel_loop3A_129 = arith.index_cast %rem3A_83 : i32 to index
        %parallel_loop3A_130 = arith.index_cast %parallel_loop3A_128 : i32 to index
        %parallel_loop3A_131 = arith.index_cast %parallel_loop3A_127 : i32 to index
        %parallel_loop3A_132 = tpu.vector_load %arg7[%parallel_loop3A_129, %parallel_loop3A_130, %parallel_loop3A_131] {strides = array<i32>} : memref<2x64x512xf32, #tpu.memory_space<vmem>>, vector<16xf32>,
        tpu.vector_store %arg7[%parallel_loop3A_129, %parallel_loop3A_130, %parallel_loop3A_131], %parallel_loop3A_125 {strides = array<i32>} : memref<2x64x512xf32, #tpu.memory_space<vmem>>, vector<16xf32>,
      } {sc.loop_unroll_factor = 4 : i64, sc.parallel_access}
      %dma_start3A_107 = arith.constant 0 : i32
      %dma_start3A_108 = arith.constant 0 : i32
      %dma_start3A_109 = tpu.memref_slice %arg7[%rem3A_83, %dma_start3A_107, %dma_start3A_108] : memref<2x64x512xf32, #tpu.memory_space<vmem>> -> memref<1x64x512xf32, #tpu.memory_space<vmem>>
      %dma_start3A_110 = tpu.memref_squeeze %dma_start3A_109 : memref<1x64x512xf32, #tpu.memory_space<vmem>> -> memref<64x512xf32, #tpu.memory_space<vmem>>
      %dma_start3A_111 = tpu.memref_slice %arg4[%select_n3A, %mul3A_32, %mul3A_85] : memref<2x1024x50176xf32, #tpu.memory_space<hbm>> -> memref<1x64x512xf32, #tpu.memory_space<hbm>>
      %dma_start3A_112 = tpu.memref_squeeze %dma_start3A_111 : memref<1x64x512xf32, #tpu.memory_space<hbm>> -> memref<64x512xf32, #tpu.memory_space<hbm>>
      %dma_start3A_113 = tpu.memref_slice %arg4[%select_n3A, %mul3A_32, %mul3A_85] : memref<2x1024x50176xf32, #tpu.memory_space<hbm>> -> memref<1x64x512xf32, #tpu.memory_space<hbm>>
      %dma_start3A_114 = tpu.memref_squeeze %dma_start3A_113 : memref<1x64x512xf32, #tpu.memory_space<hbm>> -> memref<64x512xf32, #tpu.memory_space<hbm>>
      %dma_start3A_115 = arith.constant 0 : i32
      %dma_start3A_116 = arith.constant 0 : i32
      %dma_start3A_117 = tpu.memref_slice %arg7[%rem3A_83, %dma_start3A_115, %dma_start3A_116] : memref<2x64x512xf32, #tpu.memory_space<vmem>> -> memref<1x64x512xf32, #tpu.memory_space<vmem>>
      %dma_start3A_118 = tpu.memref_squeeze %dma_start3A_117 : memref<1x64x512xf32, #tpu.memory_space<vmem>> -> memref<64x512xf32, #tpu.memory_space<vmem>>
      tpu.enqueue_dma source(%dma_start3A_118 : memref<64x512xf32, #tpu.memory_space<vmem>>) target(%dma_start3A_114 : memref<64x512xf32, #tpu.memory_space<hbm>>) target_semaphore(%arg9 : memref<!tpu.dma_semaphore, #tpu.memory_space<semaphore_mem>>)
    }
    %scan3A_51 = arith.constant 98 : i32
    %dma_wait3A = arith.constant 0 : i32
    %dma_wait3A_52 = arith.constant 0 : i32
    %dma_wait3A_53 = arith.constant 0 : i32
    %dma_wait3A_54 = tpu.memref_slice %arg7[%dma_wait3A, %dma_wait3A_52, %dma_wait3A_53] : memref<2x64x512xf32, #tpu.memory_space<vmem>> -> memref<1x64x512xf32, #tpu.memory_space<vmem>>
    %dma_wait3A_55 = tpu.memref_squeeze %dma_wait3A_54 : memref<1x64x512xf32, #tpu.memory_space<vmem>> -> memref<64x512xf32, #tpu.memory_space<vmem>>
    %dma_wait3A_56 = arith.constant 0 : i32
    %dma_wait3A_57 = tpu.memref_slice %arg4[%select_n3A, %mul3A_32, %dma_wait3A_56] : memref<2x1024x50176xf32, #tpu.memory_space<hbm>> -> memref<1x64x512xf32, #tpu.memory_space<hbm>>
    %dma_wait3A_58 = tpu.memref_squeeze %dma_wait3A_57 : memref<1x64x512xf32, #tpu.memory_space<hbm>> -> memref<64x512xf32, #tpu.memory_space<hbm>>
    %dma_wait3A_59 = arith.constant 0 : i32
    %dma_wait3A_60 = tpu.memref_slice %arg4[%select_n3A, %mul3A_32, %dma_wait3A_59] : memref<2x1024x50176xf32, #tpu.memory_space<hbm>> -> memref<1x64x512xf32, #tpu.memory_space<hbm>>
    %dma_wait3A_61 = tpu.memref_squeeze %dma_wait3A_60 : memref<1x64x512xf32, #tpu.memory_space<hbm>> -> memref<64x512xf32, #tpu.memory_space<hbm>>
    %dma_wait3A_62 = arith.constant 0 : i32
    %dma_wait3A_63 = arith.constant 0 : i32
    %dma_wait3A_64 = tpu.memref_slice %arg7[%dma_wait3A, %dma_wait3A_62, %dma_wait3A_63] : memref<2x64x512xf32, #tpu.memory_space<vmem>> -> memref<1x64x512xf32, #tpu.memory_space<vmem>>
    %dma_wait3A_65 = tpu.memref_squeeze %dma_wait3A_64 : memref<1x64x512xf32, #tpu.memory_space<vmem>> -> memref<64x512xf32, #tpu.memory_space<vmem>>
    tpu.wait_dma2 semaphore(%arg9 : memref<!tpu.dma_semaphore, #tpu.memory_space<semaphore_mem>>) src(%dma_wait3A_65 : memref<64x512xf32, #tpu.memory_space<vmem>>) dst(%dma_wait3A_61 : memref<64x512xf32, #tpu.memory_space<hbm>>)
    %dma_wait3A_66 = arith.constant 1 : i32
    %dma_wait3A_67 = arith.constant 0 : i32
    %dma_wait3A_68 = arith.constant 0 : i32
    %dma_wait3A_69 = tpu.memref_slice %arg7[%dma_wait3A_66, %dma_wait3A_67, %dma_wait3A_68] : memref<2x64x512xf32, #tpu.memory_space<vmem>> -> memref<1x64x512xf32, #tpu.memory_space<vmem>>
    %dma_wait3A_70 = tpu.memref_squeeze %dma_wait3A_69 : memref<1x64x512xf32, #tpu.memory_space<vmem>> -> memref<64x512xf32, #tpu.memory_space<vmem>>
    %dma_wait3A_71 = arith.constant 512 : i32
    %dma_wait3A_72 = tpu.memref_slice %arg4[%select_n3A, %mul3A_32, %dma_wait3A_71] : memref<2x1024x50176xf32, #tpu.memory_space<hbm>> -> memref<1x64x512xf32, #tpu.memory_space<hbm>>
    %dma_wait3A_73 = tpu.memref_squeeze %dma_wait3A_72 : memref<1x64x512xf32, #tpu.memory_space<hbm>> -> memref<64x512xf32, #tpu.memory_space<hbm>>
    %dma_wait3A_74 = arith.constant 512 : i32
    %dma_wait3A_75 = tpu.memref_slice %arg4[%select_n3A, %mul3A_32, %dma_wait3A_74] : memref<2x1024x50176xf32, #tpu.memory_space<hbm>> -> memref<1x64x512xf32, #tpu.memory_space<hbm>>
    %dma_wait3A_76 = tpu.memref_squeeze %dma_wait3A_75 : memref<1x64x512xf32, #tpu.memory_space<hbm>> -> memref<64x512xf32, #tpu.memory_space<hbm>>
    %dma_wait3A_77 = arith.constant 0 : i32
    %dma_wait3A_78 = arith.constant 0 : i32
    %dma_wait3A_79 = tpu.memref_slice %arg7[%dma_wait3A_66, %dma_wait3A_77, %dma_wait3A_78] : memref<2x64x512xf32, #tpu.memory_space<vmem>> -> memref<1x64x512xf32, #tpu.memory_space<vmem>>
    %dma_wait3A_80 = tpu.memref_squeeze %dma_wait3A_79 : memref<1x64x512xf32, #tpu.memory_space<vmem>> -> memref<64x512xf32, #tpu.memory_space<vmem>>
    tpu.wait_dma2 semaphore(%arg9 : memref<!tpu.dma_semaphore, #tpu.memory_space<semaphore_mem>>) src(%dma_wait3A_80 : memref<64x512xf32, #tpu.memory_space<vmem>>) dst(%dma_wait3A_76 : memref<64x512xf32, #tpu.memory_space<hbm>>)
    return
  }
}

module attributes {stable_mosaic.version = 14 : i64} {
  func.func @_cls_kernel(%arg0: i32, %arg1: memref<1x3x392x128xf32, #tpu.memory_space<vmem>>, %arg2: memref<32x1xi32, #tpu.memory_space<smem>>, %arg3: memref<1x392x128xi32, #tpu.memory_space<vmem>>) attributes {dimension_semantics = [#tpu.dimension_semantics<arbitrary>], iteration_bounds = array<i64: 2>, scalar_prefetch = 0 : i64, scratch_operands = 0 : i64, tpu.core_type = #tpu.core_type<tc>, window_params = [{transform_indices = @transform_0, window_bounds = array<i64: 1, 3, 392, 128>}, {transform_indices = @transform_1, window_bounds = array<i64: 32, 1>}, {transform_indices = @transform_2, window_bounds = array<i64: 1, 392, 128>}]} {
    %get3A = arith.constant 0 : index
    %get3A_0 = arith.constant 0 : index
    %get3A_1 = arith.constant 0 : index
    %get3A_2 = arith.constant 0 : index
    %get3A_3 = vector.load %arg1[%get3A, %get3A_0, %get3A_1, %get3A_2] : memref<1x3x392x128xf32, #tpu.memory_space<vmem>>, vector<1x3x392x128xf32>
    %get3A_4 = vector.shape_cast %get3A_3 : vector<1x3x392x128xf32> to vector<3x392x128xf32>
    %mul3A = arith.constant 1.275000e+02 : f32
    %mul3A_5 = vector.broadcast %mul3A : f32 to vector<3x392x128xf32>
    %mul3A_6 = arith.mulf %get3A_4, %mul3A_5 : vector<3x392x128xf32>
    %add3A = arith.constant 1.275000e+02 : f32
    %add3A_7 = vector.broadcast %add3A : f32 to vector<3x392x128xf32>
    %add3A_8 = arith.addf %mul3A_6, %add3A_7 : vector<3x392x128xf32>
    %convert_element_type3A = arith.fptosi %add3A_8 : vector<3x392x128xf32> to vector<3x392x128xi32>
    %slice3A = vector.extract_strided_slice %convert_element_type3A {offsets = [0, 0, 0], sizes = [1, 392, 128], strides = [1, 1, 1]} : vector<3x392x128xi32> to vector<1x392x128xi32>
    %squeeze3A = vector.shape_cast %slice3A : vector<1x392x128xi32> to vector<392x128xi32>
    %mul3A_9 = arith.constant 65536 : i32
    %mul3A_10 = vector.broadcast %mul3A_9 : i32 to vector<392x128xi32>
    %mul3A_11 = arith.muli %squeeze3A, %mul3A_10 : vector<392x128xi32>
    %slice3A_12 = vector.extract_strided_slice %convert_element_type3A {offsets = [1, 0, 0], sizes = [1, 392, 128], strides = [1, 1, 1]} : vector<3x392x128xi32> to vector<1x392x128xi32>
    %squeeze3A_13 = vector.shape_cast %slice3A_12 : vector<1x392x128xi32> to vector<392x128xi32>
    %mul3A_14 = arith.constant 256 : i32
    %mul3A_15 = vector.broadcast %mul3A_14 : i32 to vector<392x128xi32>
    %mul3A_16 = arith.muli %squeeze3A_13, %mul3A_15 : vector<392x128xi32>
    %add3A_17 = arith.addi %mul3A_11, %mul3A_16 : vector<392x128xi32>
    %slice3A_18 = vector.extract_strided_slice %convert_element_type3A {offsets = [2, 0, 0], sizes = [1, 392, 128], strides = [1, 1, 1]} : vector<3x392x128xi32> to vector<1x392x128xi32>
    %squeeze3A_19 = vector.shape_cast %slice3A_18 : vector<1x392x128xi32> to vector<392x128xi32>
    %add3A_20 = arith.addi %add3A_17, %squeeze3A_19 : vector<392x128xi32>
    %broadcast_in_dim3A = arith.constant 19 : i32
    %broadcast_in_dim3A_21 = vector.broadcast %broadcast_in_dim3A : i32 to vector<392x128xi32>
    %get3A_22 = arith.constant 18 : index
    %get3A_23 = arith.constant 0 : index
    %get3A_24 = memref.load %arg2[%get3A_22, %get3A_23] : memref<32x1xi32, #tpu.memory_space<smem>>
    %eq3A = vector.broadcast %get3A_24 : i32 to vector<392x128xi32>
    %eq3A_25 = arith.cmpi eq, %add3A_20, %eq3A : vector<392x128xi32>
    %jit3A = arith.constant 18 : i32
    %broadcast_in_dim3A_26 = vector.broadcast %jit3A : i32 to vector<392x128xi32>
    %select_n3A = arith.select %eq3A_25, %broadcast_in_dim3A_26, %broadcast_in_dim3A_21 : vector<392x128xi1>, vector<392x128xi32>
    %get3A_27 = arith.constant 17 : index
    %get3A_28 = arith.constant 0 : index
    %get3A_29 = memref.load %arg2[%get3A_27, %get3A_28] : memref<32x1xi32, #tpu.memory_space<smem>>
    %eq3A_30 = vector.broadcast %get3A_29 : i32 to vector<392x128xi32>
    %eq3A_31 = arith.cmpi eq, %add3A_20, %eq3A_30 : vector<392x128xi32>
    %jit3A_32 = arith.constant 17 : i32
    %broadcast_in_dim3A_33 = vector.broadcast %jit3A_32 : i32 to vector<392x128xi32>
    %select_n3A_34 = arith.select %eq3A_31, %broadcast_in_dim3A_33, %select_n3A : vector<392x128xi1>, vector<392x128xi32>
    %get3A_35 = arith.constant 16 : index
    %get3A_36 = arith.constant 0 : index
    %get3A_37 = memref.load %arg2[%get3A_35, %get3A_36] : memref<32x1xi32, #tpu.memory_space<smem>>
    %eq3A_38 = vector.broadcast %get3A_37 : i32 to vector<392x128xi32>
    %eq3A_39 = arith.cmpi eq, %add3A_20, %eq3A_38 : vector<392x128xi32>
    %jit3A_40 = arith.constant 16 : i32
    %broadcast_in_dim3A_41 = vector.broadcast %jit3A_40 : i32 to vector<392x128xi32>
    %select_n3A_42 = arith.select %eq3A_39, %broadcast_in_dim3A_41, %select_n3A_34 : vector<392x128xi1>, vector<392x128xi32>
    %get3A_43 = arith.constant 15 : index
    %get3A_44 = arith.constant 0 : index
    %get3A_45 = memref.load %arg2[%get3A_43, %get3A_44] : memref<32x1xi32, #tpu.memory_space<smem>>
    %eq3A_46 = vector.broadcast %get3A_45 : i32 to vector<392x128xi32>
    %eq3A_47 = arith.cmpi eq, %add3A_20, %eq3A_46 : vector<392x128xi32>
    %jit3A_48 = arith.constant 15 : i32
    %broadcast_in_dim3A_49 = vector.broadcast %jit3A_48 : i32 to vector<392x128xi32>
    %select_n3A_50 = arith.select %eq3A_47, %broadcast_in_dim3A_49, %select_n3A_42 : vector<392x128xi1>, vector<392x128xi32>
    %get3A_51 = arith.constant 14 : index
    %get3A_52 = arith.constant 0 : index
    %get3A_53 = memref.load %arg2[%get3A_51, %get3A_52] : memref<32x1xi32, #tpu.memory_space<smem>>
    %eq3A_54 = vector.broadcast %get3A_53 : i32 to vector<392x128xi32>
    %eq3A_55 = arith.cmpi eq, %add3A_20, %eq3A_54 : vector<392x128xi32>
    %jit3A_56 = arith.constant 14 : i32
    %broadcast_in_dim3A_57 = vector.broadcast %jit3A_56 : i32 to vector<392x128xi32>
    %select_n3A_58 = arith.select %eq3A_55, %broadcast_in_dim3A_57, %select_n3A_50 : vector<392x128xi1>, vector<392x128xi32>
    %get3A_59 = arith.constant 13 : index
    %get3A_60 = arith.constant 0 : index
    %get3A_61 = memref.load %arg2[%get3A_59, %get3A_60] : memref<32x1xi32, #tpu.memory_space<smem>>
    %eq3A_62 = vector.broadcast %get3A_61 : i32 to vector<392x128xi32>
    %eq3A_63 = arith.cmpi eq, %add3A_20, %eq3A_62 : vector<392x128xi32>
    %jit3A_64 = arith.constant 13 : i32
    %broadcast_in_dim3A_65 = vector.broadcast %jit3A_64 : i32 to vector<392x128xi32>
    %select_n3A_66 = arith.select %eq3A_63, %broadcast_in_dim3A_65, %select_n3A_58 : vector<392x128xi1>, vector<392x128xi32>
    %get3A_67 = arith.constant 12 : index
    %get3A_68 = arith.constant 0 : index
    %get3A_69 = memref.load %arg2[%get3A_67, %get3A_68] : memref<32x1xi32, #tpu.memory_space<smem>>
    %eq3A_70 = vector.broadcast %get3A_69 : i32 to vector<392x128xi32>
    %eq3A_71 = arith.cmpi eq, %add3A_20, %eq3A_70 : vector<392x128xi32>
    %jit3A_72 = arith.constant 12 : i32
    %broadcast_in_dim3A_73 = vector.broadcast %jit3A_72 : i32 to vector<392x128xi32>
    %select_n3A_74 = arith.select %eq3A_71, %broadcast_in_dim3A_73, %select_n3A_66 : vector<392x128xi1>, vector<392x128xi32>
    %get3A_75 = arith.constant 11 : index
    %get3A_76 = arith.constant 0 : index
    %get3A_77 = memref.load %arg2[%get3A_75, %get3A_76] : memref<32x1xi32, #tpu.memory_space<smem>>
    %eq3A_78 = vector.broadcast %get3A_77 : i32 to vector<392x128xi32>
    %eq3A_79 = arith.cmpi eq, %add3A_20, %eq3A_78 : vector<392x128xi32>
    %jit3A_80 = arith.constant 11 : i32
    %broadcast_in_dim3A_81 = vector.broadcast %jit3A_80 : i32 to vector<392x128xi32>
    %select_n3A_82 = arith.select %eq3A_79, %broadcast_in_dim3A_81, %select_n3A_74 : vector<392x128xi1>, vector<392x128xi32>
    %get3A_83 = arith.constant 10 : index
    %get3A_84 = arith.constant 0 : index
    %get3A_85 = memref.load %arg2[%get3A_83, %get3A_84] : memref<32x1xi32, #tpu.memory_space<smem>>
    %eq3A_86 = vector.broadcast %get3A_85 : i32 to vector<392x128xi32>
    %eq3A_87 = arith.cmpi eq, %add3A_20, %eq3A_86 : vector<392x128xi32>
    %jit3A_88 = arith.constant 10 : i32
    %broadcast_in_dim3A_89 = vector.broadcast %jit3A_88 : i32 to vector<392x128xi32>
    %select_n3A_90 = arith.select %eq3A_87, %broadcast_in_dim3A_89, %select_n3A_82 : vector<392x128xi1>, vector<392x128xi32>
    %get3A_91 = arith.constant 9 : index
    %get3A_92 = arith.constant 0 : index
    %get3A_93 = memref.load %arg2[%get3A_91, %get3A_92] : memref<32x1xi32, #tpu.memory_space<smem>>
    %eq3A_94 = vector.broadcast %get3A_93 : i32 to vector<392x128xi32>
    %eq3A_95 = arith.cmpi eq, %add3A_20, %eq3A_94 : vector<392x128xi32>
    %jit3A_96 = arith.constant 9 : i32
    %broadcast_in_dim3A_97 = vector.broadcast %jit3A_96 : i32 to vector<392x128xi32>
    %select_n3A_98 = arith.select %eq3A_95, %broadcast_in_dim3A_97, %select_n3A_90 : vector<392x128xi1>, vector<392x128xi32>
    %get3A_99 = arith.constant 8 : index
    %get3A_100 = arith.constant 0 : index
    %get3A_101 = memref.load %arg2[%get3A_99, %get3A_100] : memref<32x1xi32, #tpu.memory_space<smem>>
    %eq3A_102 = vector.broadcast %get3A_101 : i32 to vector<392x128xi32>
    %eq3A_103 = arith.cmpi eq, %add3A_20, %eq3A_102 : vector<392x128xi32>
    %jit3A_104 = arith.constant 8 : i32
    %broadcast_in_dim3A_105 = vector.broadcast %jit3A_104 : i32 to vector<392x128xi32>
    %select_n3A_106 = arith.select %eq3A_103, %broadcast_in_dim3A_105, %select_n3A_98 : vector<392x128xi1>, vector<392x128xi32>
    %get3A_107 = arith.constant 7 : index
    %get3A_108 = arith.constant 0 : index
    %get3A_109 = memref.load %arg2[%get3A_107, %get3A_108] : memref<32x1xi32, #tpu.memory_space<smem>>
    %eq3A_110 = vector.broadcast %get3A_109 : i32 to vector<392x128xi32>
    %eq3A_111 = arith.cmpi eq, %add3A_20, %eq3A_110 : vector<392x128xi32>
    %jit3A_112 = arith.constant 7 : i32
    %broadcast_in_dim3A_113 = vector.broadcast %jit3A_112 : i32 to vector<392x128xi32>
    %select_n3A_114 = arith.select %eq3A_111, %broadcast_in_dim3A_113, %select_n3A_106 : vector<392x128xi1>, vector<392x128xi32>
    %get3A_115 = arith.constant 6 : index
    %get3A_116 = arith.constant 0 : index
    %get3A_117 = memref.load %arg2[%get3A_115, %get3A_116] : memref<32x1xi32, #tpu.memory_space<smem>>
    %eq3A_118 = vector.broadcast %get3A_117 : i32 to vector<392x128xi32>
    %eq3A_119 = arith.cmpi eq, %add3A_20, %eq3A_118 : vector<392x128xi32>
    %jit3A_120 = arith.constant 6 : i32
    %broadcast_in_dim3A_121 = vector.broadcast %jit3A_120 : i32 to vector<392x128xi32>
    %select_n3A_122 = arith.select %eq3A_119, %broadcast_in_dim3A_121, %select_n3A_114 : vector<392x128xi1>, vector<392x128xi32>
    %get3A_123 = arith.constant 5 : index
    %get3A_124 = arith.constant 0 : index
    %get3A_125 = memref.load %arg2[%get3A_123, %get3A_124] : memref<32x1xi32, #tpu.memory_space<smem>>
    %eq3A_126 = vector.broadcast %get3A_125 : i32 to vector<392x128xi32>
    %eq3A_127 = arith.cmpi eq, %add3A_20, %eq3A_126 : vector<392x128xi32>
    %jit3A_128 = arith.constant 5 : i32
    %broadcast_in_dim3A_129 = vector.broadcast %jit3A_128 : i32 to vector<392x128xi32>
    %select_n3A_130 = arith.select %eq3A_127, %broadcast_in_dim3A_129, %select_n3A_122 : vector<392x128xi1>, vector<392x128xi32>
    %get3A_131 = arith.constant 4 : index
    %get3A_132 = arith.constant 0 : index
    %get3A_133 = memref.load %arg2[%get3A_131, %get3A_132] : memref<32x1xi32, #tpu.memory_space<smem>>
    %eq3A_134 = vector.broadcast %get3A_133 : i32 to vector<392x128xi32>
    %eq3A_135 = arith.cmpi eq, %add3A_20, %eq3A_134 : vector<392x128xi32>
    %jit3A_136 = arith.constant 4 : i32
    %broadcast_in_dim3A_137 = vector.broadcast %jit3A_136 : i32 to vector<392x128xi32>
    %select_n3A_138 = arith.select %eq3A_135, %broadcast_in_dim3A_137, %select_n3A_130 : vector<392x128xi1>, vector<392x128xi32>
    %get3A_139 = arith.constant 3 : index
    %get3A_140 = arith.constant 0 : index
    %get3A_141 = memref.load %arg2[%get3A_139, %get3A_140] : memref<32x1xi32, #tpu.memory_space<smem>>
    %eq3A_142 = vector.broadcast %get3A_141 : i32 to vector<392x128xi32>
    %eq3A_143 = arith.cmpi eq, %add3A_20, %eq3A_142 : vector<392x128xi32>
    %jit3A_144 = arith.constant 3 : i32
    %broadcast_in_dim3A_145 = vector.broadcast %jit3A_144 : i32 to vector<392x128xi32>
    %select_n3A_146 = arith.select %eq3A_143, %broadcast_in_dim3A_145, %select_n3A_138 : vector<392x128xi1>, vector<392x128xi32>
    %get3A_147 = arith.constant 2 : index
    %get3A_148 = arith.constant 0 : index
    %get3A_149 = memref.load %arg2[%get3A_147, %get3A_148] : memref<32x1xi32, #tpu.memory_space<smem>>
    %eq3A_150 = vector.broadcast %get3A_149 : i32 to vector<392x128xi32>
    %eq3A_151 = arith.cmpi eq, %add3A_20, %eq3A_150 : vector<392x128xi32>
    %jit3A_152 = arith.constant 2 : i32
    %broadcast_in_dim3A_153 = vector.broadcast %jit3A_152 : i32 to vector<392x128xi32>
    %select_n3A_154 = arith.select %eq3A_151, %broadcast_in_dim3A_153, %select_n3A_146 : vector<392x128xi1>, vector<392x128xi32>
    %get3A_155 = arith.constant 1 : index
    %get3A_156 = arith.constant 0 : index
    %get3A_157 = memref.load %arg2[%get3A_155, %get3A_156] : memref<32x1xi32, #tpu.memory_space<smem>>
    %eq3A_158 = vector.broadcast %get3A_157 : i32 to vector<392x128xi32>
    %eq3A_159 = arith.cmpi eq, %add3A_20, %eq3A_158 : vector<392x128xi32>
    %jit3A_160 = arith.constant 1 : i32
    %broadcast_in_dim3A_161 = vector.broadcast %jit3A_160 : i32 to vector<392x128xi32>
    %select_n3A_162 = arith.select %eq3A_159, %broadcast_in_dim3A_161, %select_n3A_154 : vector<392x128xi1>, vector<392x128xi32>
    %get3A_163 = arith.constant 0 : index
    %get3A_164 = arith.constant 0 : index
    %get3A_165 = memref.load %arg2[%get3A_163, %get3A_164] : memref<32x1xi32, #tpu.memory_space<smem>>
    %eq3A_166 = vector.broadcast %get3A_165 : i32 to vector<392x128xi32>
    %eq3A_167 = arith.cmpi eq, %add3A_20, %eq3A_166 : vector<392x128xi32>
    %jit3A_168 = arith.constant 0 : i32
    %broadcast_in_dim3A_169 = vector.broadcast %jit3A_168 : i32 to vector<392x128xi32>
    %select_n3A_170 = arith.select %eq3A_167, %broadcast_in_dim3A_169, %select_n3A_162 : vector<392x128xi1>, vector<392x128xi32>
    %swap3A = arith.constant 0 : index
    %swap3A_171 = arith.constant 0 : index
    %swap3A_172 = arith.constant 0 : index
    %swap3A_173 = vector.load %arg3[%swap3A, %swap3A_171, %swap3A_172] : memref<1x392x128xi32, #tpu.memory_space<vmem>>, vector<1x392x128xi32>
    %swap3A_174 = vector.shape_cast %swap3A_173 : vector<1x392x128xi32> to vector<392x128xi32>
    %swap3A_175 = vector.shape_cast %select_n3A_170 : vector<392x128xi32> to vector<1x392x128xi32>
    tpu.vector_store %arg3[%swap3A, %swap3A_171, %swap3A_172], %swap3A_175 {strides = array<i32>} : memref<1x392x128xi32, #tpu.memory_space<vmem>>, vector<1x392x128xi32>,
    return
  }
  func.func @transform_0(%arg0: i32) -> (i32, i32, i32, i32) {
    %c0_i32 = arith.constant 0 : i32
    %c0_i32_0 = arith.constant 0 : i32
    %c0_i32_1 = arith.constant 0 : i32
    %c0_i32_2 = arith.constant 0 : i32
    return %arg0, %c0_i32, %c0_i32_0, %c0_i32_1 : i32, i32, i32, i32
  }
  func.func @transform_1(%arg0: i32) -> (i32, i32) {
    %c0_i32 = arith.constant 0 : i32
    %c0_i32_0 = arith.constant 0 : i32
    %c0_i32_1 = arith.constant 0 : i32
    return %c0_i32, %c0_i32_0 : i32, i32
  }
  func.func @transform_2(%arg0: i32) -> (i32, i32, i32) {
    %c0_i32 = arith.constant 0 : i32
    %c0_i32_0 = arith.constant 0 : i32
    %c0_i32_1 = arith.constant 0 : i32
    return %arg0, %c0_i32, %c0_i32_0 : i32, i32, i32
  }
}

</mosaic_0001>

<sc_bundles>
// kernel: kernel.4.cloned.1.call-start
scs
__scs_entry_jumppad:
0x0: {  	(pc) =	sbr.rel $0x88, $3  }
0x1: {  	(tag) =	ssettag $0x0;
	lr =	simm.s32 $0x1  }
0x2: {  	[smem:$0x3F9E] =	sst lr;
	_ =	strace $0xD0000000  }
0x3: {  	_ = 	snop  }
0x4: {  	_ = 	snop  }
0x5: {  	_ = 	snop  }
0x6: {  	_ = 	snop  }
0x7: {  	_ = 	snop  }
__scs_overlays_trampoline_lowered:
0x8: {  	[smem:$0x3FAD] =	sst s0  }
0x9: {  	[smem:$0x3FAE] =	sst s1  }
0xa: {  	[smem:$0x3FAF] =	sst s2  }
0xb: {  	[smem:$0x3FB0] =	sst s3  }
0xc: {  	[smem:$0x3FB1] =	sst s4  }
0xd: {  	[smem:$0x3FB2] =	sst s5  }
0xe: {  	[smem:$0x3FB3] =	sst s6  }
0xf: {  	[smem:$0x3FB4] =	sst s7  }
0x10: {  	[smem:$0x3FB5] =	sst s8  }
0x11: {  	[smem:$0x3FB6] =	sst s9;
	s0 =	simm.s32 @!p0 $0x0  }
0x12: {  	s1 =	sld [smem:$0x3F9C];
	s0 =	simm.s32 @p0 $0x1  }
0x13: {  	[smem:$0x3FB7] =	sst s0;
	s0 =	simm.s32 @!p1 $0x0  }
0x14: {  	s2 =	sld [smem:$0x3F9B];
	s0 =	simm.s32 @p1 $0x1  }
0x15: {  	[smem:$0x3FB8] =	sst s0;
	s0 =	simm.s32 @!p2 $0x0  }
0x16: {  	s3 =	sld [smem:$0x3FDB];
	s0 =	simm.s32 @p2 $0x1  }
0x17: {  	s4 =	simm.s32 $0x1BF5;
	[smem:$0x3FBA] =	sst s0  }
0x18: {  	s0 =	sld [smem:$0x3F9D];
	_ =	swait.ge [sflag:s4], $0x0  }
0x19: {  	s7 =	sld [smem:$0x3F9E]  }
0x1a: {  	s8 =	sadd.s32 $0xFFFFE003, lr  }
0x1b: {  	s9 =	sadd.s32 $0xFFFFFEF7, lr;
	s5 =	simm.s32 $0xFFFFFFFF;
	p2 =	slt.u32 s8, $0xFFFFF086  }
0x1c: {  	p1 =	slt.u32 s9, $0xF7A;
	s5 =	simm.s32 @!p2 $0x0  }
0x1d: {  	s5 =	simm.s32 @p1 $0x1;
	p0 =	seq.s32 s7, s2  }
0x1e: {  	s7 =	smul.u32 @!p0 $0xF7A, s2;
	p2 =	seq.s32 @!p0 s5, $0x0  }
0x1f: {  	s9 =	smul.u32 $0xF7A, s1;
	s8 =	simm.s32 @!p0 $0x1BF5;
	p2 =	por !p2, p0  }
0x20: {  	[sflag:s8] =	ssyncset.s32 @!p0 $0xFFFFF086;
	s6 =	sadd.s32 @!p0 s3, s7;
	s7 =	simm.s32 @!p0 $0x108  }
0x21: {  	s3 =	sadd.s32 s3, s9;
	s6 =	sadd.s32 @!p0 $0x88, s6;
	s7 =	simm.s32 @p2 $0x1082  }
0x22: {  	[simem:s7], [sflag:s8] =	dma.local @!p0 [hbm:s6], $0xF7A  }
0x23: {  	s9 =	sor.u32 $0xD0000000, s2;
	s6 =	simm.s32 $0x108;
	_ =	swait.ge @!p0 [sflag:s8], $0x0  }
0x24: {  	s3 =	sadd.s32 $0x88, s3;
	s6 =	simm.s32 @!p1 $0x1082;
	[sflag:s4] =	ssyncset.s32 $0xFFFFF086  }
0x25: {  	[simem:s6], [sflag:s4] =	dma.local [hbm:s3], $0xF7A  }
0x26: {  	[smem:$0x3F9E] =	sst s1;
	(tag) =	ssettag s2;
	_ =	strace s9  }
0x27: {  	s1 =	sld [smem:$0x3FAE]  }
0x28: {  	s2 =	sld [smem:$0x3FAF]  }
0x29: {  	s4 =	sld [smem:$0x3FB1]  }
0x2a: {  	p0 =	seq.s32 s5, $0x0;
	s5 =	sld [smem:$0x3FB2]  }
0x2b: {  	s6 =	sld [smem:$0x3FB3]  }
0x2c: {  	s7 =	sld [smem:$0x3FB4]  }
0x2d: {  	s3 =	simm.s32 $0x108;
	s8 =	sld [smem:$0x3FB5]  }
0x2e: {  	s3 =	simm.s32 @!p0 $0x1082;
	s9 =	sld [smem:$0x3FB6]  }
0x2f: {  	lr =	sadd.s32 s0, s3;
	s0 =	sld [smem:$0x3FAD]  }
0x30: {  	s3 =	sld [smem:$0x3FB0]  }
0x31: {  	[smem:$0x3FB9] =	sst s10  }
0x32: {  	s10 =	sld [smem:$0x3FB7];
	_ =	sdelay $0x3  }
0x33: {  	p0 =	seq.s32 s10, $0x1;
	s10 =	sld [smem:$0x3FB9];
	_ =	sdelay $0x3  }
0x34: {  	[smem:$0x3FB9] =	sst s10  }
0x35: {  	s10 =	sld [smem:$0x3FB8];
	_ =	sdelay $0x3  }
0x36: {  	p1 =	seq.s32 s10, $0x1;
	s10 =	sld [smem:$0x3FB9];
	_ =	sdelay $0x3  }
0x37: {  	[smem:$0x3FB9] =	sst s10  }
0x38: {  	s10 =	sld [smem:$0x3FBA]  }
0x39: {  	_ = 	snop;
	(pc) =	sbr.ind lr, $3  }
0x3a: {  	_ = 	snop  }
0x3b: {  	_ = 	snop  }
0x3c: {  	p2 =	seq.s32 s10, $0x1;
	s10 =	sld [smem:$0x3FB9]  }
0x3d: {  	_ =	shalt  }
0x3e: {  	_ =	shalt  }
0x3f: {  	_ =	shalt  }
0x40: {  	_ =	shalt  }
0x41: {  	_ =	shalt  }
0x42: {  	_ =	shalt  }
0x43: {  	_ =	shalt  }
0x44: {  	_ =	shalt  }
0x45: {  	_ =	shalt  }
0x46: {  	_ =	shalt  }
0x47: {  	_ =	shalt  }
0x48: {  	_ =	shalt  }
0x49: {  	_ =	shalt  }
0x4a: {  	_ =	shalt  }
0x4b: {  	_ =	shalt  }
0x4c: {  	_ =	shalt  }
0x4d: {  	_ =	shalt  }
0x4e: {  	_ =	shalt  }
0x4f: {  	_ =	shalt  }
0x50: {  	_ =	shalt  }
0x51: {  	_ =	shalt  }
0x52: {  	_ =	shalt  }
0x53: {  	_ =	shalt  }
0x54: {  	_ =	shalt  }
0x55: {  	_ =	shalt  }
0x56: {  	_ =	shalt  }
0x57: {  	_ =	shalt  }
0x58: {  	_ =	shalt  }
0x59: {  	_ =	shalt  }
0x5a: {  	_ =	shalt  }
0x5b: {  	_ =	shalt  }
0x5c: {  	_ =	shalt  }
0x5d: {  	_ =	shalt  }
0x5e: {  	_ =	shalt  }
0x5f: {  	_ =	shalt  }
0x60: {  	_ =	shalt  }
0x61: {  	_ =	shalt  }
0x62: {  	_ =	shalt  }
0x63: {  	_ =	shalt  }
0x64: {  	_ =	shalt  }
0x65: {  	_ =	shalt  }
0x66: {  	_ =	shalt  }
0x67: {  	_ =	shalt  }
0x68: {  	_ =	shalt  }
0x69: {  	_ =	shalt  }
0x6a: {  	_ =	shalt  }
0x6b: {  	_ =	shalt  }
0x6c: {  	_ =	shalt  }
0x6d: {  	_ =	shalt  }
0x6e: {  	_ =	shalt  }
0x6f: {  	_ =	shalt  }
0x70: {  	_ =	shalt  }
0x71: {  	_ =	shalt  }
0x72: {  	_ =	shalt  }
0x73: {  	_ =	shalt  }
0x74: {  	_ =	shalt  }
0x75: {  	_ =	shalt  }
0x76: {  	_ =	shalt  }
0x77: {  	_ =	shalt  }
0x78: {  	_ =	shalt  }
0x79: {  	_ =	shalt  }
0x7a: {  	_ =	shalt  }
0x7b: {  	_ =	shalt  }
0x7c: {  	_ =	shalt  }
0x7d: {  	_ =	shalt  }
0x7e: {  	_ =	shalt  }
0x7f: {  	_ =	shalt  }
0x80: {  	_ =	shalt  }
0x81: {  	_ =	shalt  }
0x82: {  	_ =	shalt  }
0x83: {  	_ =	shalt  }
0x84: {  	_ =	shalt  }
0x85: {  	_ =	shalt  }
0x86: {  	_ =	shalt  }
0x87: {  	_ =	shalt  }
.Lfunc_end0:
.L_simem_size_0:
called_computation_lowered:
.L_overlay_start_0:
0x88: {  	s2 =	sld [smem:$0x3FD9]  }
0x89: {  	s3 =	sld [smem:$0x3FFE];
	_ =	sdelay $0x1  }
0x8a: {  	s1 =	srdreg.scid  }
0x8b: {  	s0 =	sand.u32 $0x1, s1  }
0x8c: {  	s17 =	sshll.u32 s0, $0xA;
	s2 =	sadd.s32 s3, s2  }
0x8d: {  	s2 =	sadd.s32 s2, s17  }
0x8e: {  	[smem:$0x3FC5] =	sst s2  }
0x8f: {  	_ = 	snop  }
0x90: {  	s2 =	sld [smem:$0x3FD0];
	(tm) =	ssettm $0x1  }
0x91: {  	s18 =	sld [smem:$0x3FFB];
	_ =	sdelay $0x3  }
0x92: {  	_ =	strace s18  }
0x93: {  	s3 =	sld [smem:$0x3FFC];
	_ =	sdelay $0x3  }
0x94: {  	_ =	strace s3  }
0x95: {  	s3 =	sld [smem:$0x3FFD];
	_ =	sdelay $0x3  }
0x96: {  	_ =	strace s3  }
0x97: {  	_ =	strace $0x8FFFFFFF  }
0x98: {  	s19 =	sld [smem:$0x3FDB];
	_ =	sdelay $0x1  }
0x99: {  	s4 =	simm.s32 $_scs_section_size  }
0x9a: {  	s5 =	simm.s32 $_size__tile_overlayer_lowered;
	s6 =	simm.s32 $_tile_overlayer_lowered  }
0x9b: {  	s22 =	simm.s32 $0x1BFF;
	s21 =	sshll.u32 s6, $0x1;
	s3 =	sadd.s32 s4, s19  }
0x9c: {  	s7 =	simm.s32 $0x0;
	s20 =	sshll.u32 s5, $0x1;
	s5 =	sadd.s32 s21, s3  }
0x9d: {  	[timem:s7], [sflag:s22] =	dma.local [hbm:s5], s20  }
0x9e: {  	_ =	swait.ge [sflag:s22], s20  }
0x9f: {  	s4 =	ssub.s32 $0x0, s20;
	[sflag:s22] =	ssyncset.done $0x0  }
0xa0: {  	[sflag:s22] =	ssyncadd.s32 s4;
	_ =	sdelay $0x1  }
0xa1: {  	s23 =	simm.s32 $0x1B8B  }
0xa2: {  	_ =	swait.ge [sflag:s23], $0x1  }
0xa3: {  	[sflag:s23] =	ssyncset.done $0x0  }
0xa4: {  	s25 =	simm.s32 $0x1B8E;
	s24 =	sld [smem:$0x3FFE];
	[sflag:s23] =	ssyncadd.s32 $0xFFFFFFFF  }
0xa5: {  	s26 =	simm.s32 $execute0_lowered;
	[smem:$0x3FD2] =	sst s25  }
0xa6: {  	s5 =	sshll.u32 s26, $0x1;
	_ =	strace $0x80000046;
	[dreg:$0x1] =	wrdreg $0xFFFFFFFF  }
0xa7: {  	s28 =	simm.s32 $_size_execute0_lowered;
	s3 =	sadd.s32 s3, s5;
	[dreg:$0x0] =	wrdreg $0x0  }
0xa8: {  	s5 =	sshll.u32 s28, $0x1;
	[dreg:$0x2] =	wrdreg s3  }
0xa9: {  	[dreg:$0x3] =	wrdreg s5  }
0xaa: {  	[dreg:$0x4] =	wrdreg $0xC0  }
0xab: {  	_ =	task [dreg:s7], $0x5FFFF  }
0xac: {  	[dreg:$0x1] =	wrdreg $0xFFFFFFFF  }
0xad: {  	[dreg:$0x0] =	wrdreg $0x60  }
0xae: {  	[dreg:$0x2] =	wrdreg s24  }
0xaf: {  	[dreg:$0x3] =	wrdreg s2  }
0xb0: {  	[dreg:$0x4] =	wrdreg $0x9  }
0xb1: {  	_ =	task.clear_ibuf [dreg:s7], $0x5FFFF;
	_ =	strace $0x90000046  }
0xb2: {  	s29 =	simm.s32 $0x9;
	_ =	strace $0x80000048  }
0xb3: {  	_ =	swait.ge [sflag:s29], $0x1  }
0xb4: {  	[sflag:s29] =	ssyncadd.s32 $0xFFFFFFFF  }
0xb5: {  	_ =	strace $0x90000048  }
0xb6: {  	_ =	sfence  }
0xb7: {  	s30 =	sld [smem:$0x0];
	_ =	sdelay $0x2  }
0xb8: {  	s31 =	sshll.u32 s1, $0xD;
	s1 =	sshrl.u32 s1, $0x2  }
0xb9: {  	s3 =	sand.u32 $0x4000, s31;
	s1 =	sadd.s32 s1, s30  }
0xba: {  	s0 =	sor.u32 s3, s0;
	s1 =	sshll.u32 s1, $0x11  }
0xbb: {  	s0 =	sor.u32 s1, s0  }
0xbc: {  	s0 =	sadd.s32 $0x8F2B, s0  }
0xbd: {  	[sflag:s0] =	ssyncadd.remote.s32 $0x1  }
0xbe: {  	_ =	sfence.sel $0xFFFF  }
0xbf: {  	[dreg:$0x0] =	wrdreg $0xFFFFFFFF;
	(pc) =	sbr.abs _section_cstart, $3  }
0xc0: {  	[dreg:$0x1] =	wrdreg $0xFFFFFFFF  }
0xc1: {  	_ =	task.clear_ibuf [dreg:s7], $0x2FFFF;
	_ =	strace $0x9FFFFFFF  }
0xc2: {  	(tm) =	ssettm $0x7FFFFFFF  }
0xc3: {  	_ =	shalt  }
tec
execute0_lowered:
.L_overlay_start_1:
0x0: {  	(tag) =	ssettag $0x1  }
0x1: {  	s0 =	rddreg [dreg:$0x0]  }
0x2: {  	s1 =	rddreg [dreg:$0x1];
	s2 =	simm.s32 $0x0  }
0x3: {  	s3 =	srdreg.scid;
	s8 =	stileid.u32;
	s17 =	simm.s32 $0x1  }
0x4: {  	s18 =	simm.s32 $0x2;
	s19 =	simm.s32 $0x1000;
	s20 =	simm.s32 $0x62000  }
0x5: {  	[smem:$0x7FF] =	sst s2;
	s4 =	sand.u32 $0x1, s3;
	s3 =	sadd.s32 $0x1000, s0  }
0x6: {  	s6 =	sshll.u32 s8, $0x1;
	s8 =	sshrl.u32 s8, $0x3;
	_ =	strace $0x80000047  }
0x7: {  	s5 =	ssub.s32 $0x2, s4;
	s6 =	sand.u32 $0xE, s6;
	s25 =	sshll.u32 s8, $0x4  }
0x8: {  	s8 =	smul.u32 $0x3100000, s8;
	s6 =	sor.u32 s4, s6;
	s4 =	sadd.s32 s1, s25  }
0x9: {  	s7 =	sshrl.u32 s5, $0x1;
	s29 =	sadd.s32 $0x20, s4;
	[dreg:$0x3] =	wrdreg s4  }
0xa: {  	s9 =	sshll.u32 s6, $0x8;
	s30 =	sadd.s32 $0x40, s4;
	[dreg:$0x6] =	wrdreg s29  }
0xb: {  	s26 =	smul.u32 $0x310000, s6;
	s31 =	sadd.s32 $0x60, s4;
	[dreg:$0x7] =	wrdreg s30  }
0xc: {  	s5 =	ssub.s32 s5, s7;
	s0 =	sadd.s32 s0, s9;
	[dreg:$0x8] =	wrdreg s31  }
0xd: {  	s1 =	simm.s32 $0x0;
	s28 =	smax.u32 s5, $0x1;
	[dreg:$0x4] =	wrdreg s0  }
0xe: {  	s6 =	sadd.s32 $0x80, s4;
	s7 =	sadd.s32 s8, s26;
	[dreg:$0x5] =	wrdreg s28  }
.LBB2_1:
0xf: {  	[dreg:$0x9] =	wrdreg s1  }
0x10: {  	s0 =	rddreg [dreg:$0x4];
	s22 =	simm.s32 $0x3  }
0x11: {  	[tilespmem:s2], [sflag:$0x3] =	stream.linear.gather [hbm4b:s0+s2], $0x800, $0x38;
	[tilespmem:$0x10C00] =	vst v63  }
0x12: {  	_ =	swait.ge [sflag:s22], $0x800  }
0x13: {  	[sflag:s22] =	ssyncset.done $0x0  }
0x14: {  	s24 =	simm.s32 $0x800;
	s23 =	rddreg [dreg:$0x3];
	[sflag:s22] =	ssyncadd.s32 $0xFFFFF800  }
0x15: {  	[tilespmem:s24], [sflag:$0x1] =	stream.linear.gather [hbm4b:s23+s2], $0x80, $0x38;
	[tilespmem:$0x10C00] =	vst v63  }
0x16: {  	s26 =	simm.s32 $0x900;
	s25 =	rddreg [dreg:$0x6]  }
0x17: {  	[tilespmem:s26], [sflag:$0x1] =	stream.linear.gather [hbm4b:s25+s2], $0x80, $0x38;
	[tilespmem:$0x10C00] =	vst v63  }
0x18: {  	s29 =	simm.s32 $0xA00;
	s28 =	rddreg [dreg:$0x7]  }
0x19: {  	[tilespmem:s29], [sflag:$0x1] =	stream.linear.gather [hbm4b:s28+s2], $0x80, $0x38;
	[tilespmem:$0x10C00] =	vst v63  }
0x1a: {  	s31 =	simm.s32 $0xB00;
	s30 =	rddreg [dreg:$0x8];
	s22 =	simm.s32 $0x0  }
0x1b: {  	[tilespmem:s31], [sflag:$0x1] =	stream.linear.gather [hbm4b:s30+s2], $0x80, $0x38;
	[tilespmem:$0x10C00] =	vst v63  }
.LBB2_2:
0x1c: {  	p0 =	seq.s32 s22, $0x61  }
0x1d: {  	_ =	swait.ge [sflag:s17], $0x200;
	s1 =	sshll.u32 @!p0 s22, $0x7  }
0x1e: {  	[sflag:s17] =	ssyncset.done $0x0;
	s0 =	sand.u32 @!p0 $0x80, s1  }
0x1f: {  	s10 =	simm.s32 @!p0 $0x0;
	p1 =	slt.u32 @!p0 s22, $0x2;
	s5 =	sxor.u32 @!p0 $0x80, s0  }
0x20: {  	[sflag:s17] =	ssyncadd.s32 $0xFFFFFE00;
	s1 =	sadd.s32 @!p0 s1, s6;
	s8 =	sor.u32 @!p0 $0x800, s5  }
0x21: {  	[tilespmem:s8], [sflag:$0x1] =	stream.linear.gather @!p0 [hbm4b:s1+s10], $0x80, $0x38;
	[tilespmem:$0x10C00] =	vst v63  }
0x22: {  	p1 =	por p0, !p1;
	s12 =	sor.u32 @!p0 $0x900, s5;
	s8 =	sadd.s32 @!p0 $0x20, s1  }
0x23: {  	[tilespmem:s12], [sflag:$0x1] =	stream.linear.gather @!p0 [hbm4b:s8+s10], $0x80, $0x38;
	[tilespmem:$0x10C00] =	vst v63  }
.Ltmp0:
0x24: {  	_ = 	snop;
	(pc) =	sbr.rel @!p1 .LBB2_4-.Ltmp0, $4  }
0x25: {  	s8 =	sadd.s32 @!p0 $0x40, s1;
	s12 =	sor.u32 @!p0 $0xA00, s5  }
0x26: {  	[tilespmem:s12], [sflag:$0x1] =	stream.linear.gather @!p0 [hbm4b:s8+s10], $0x80, $0x38;
	[tilespmem:$0x10C00] =	vst v63  }
0x27: {  	s1 =	sadd.s32 @!p0 $0x60, s1;
	s5 =	sor.u32 @!p0 $0xB00, s5  }
0x28: {  	[tilespmem:s5], [sflag:$0x1] =	stream.linear.gather @!p0 [hbm4b:s1+s10], $0x80, $0x38;
	[tilespmem:$0x10C00] =	vst v63  }
0x29: {  	_ =	swait.ge [sflag:s18], $0x8000  }
0x2a: {  	[sflag:s18] =	ssyncset.done $0x0  }
0x2b: {  	s0 =	simm.s32 @p0 $0x80;
	[sflag:s18] =	ssyncadd.s32 $0xFFFF8000  }
.LBB2_4:
0x2c: {  	s1 =	simm.s32 $0x0;
	s24 =	sor.u32 $0x800, s0;
	s25 =	simm.s32 $0x0  }
0x2d: {  	s8 =	sshll.u32 s22, $0xF;
	s4 =	simm.s32 $0x0;
	s1 =	sand.u32 $0xFFFFFF00, s1  }
0x2e: {  	s16 =	simm.s32 $0x80;
	s0 =	sand.u32 $0x40, s25;
	s1 =	sadd.s32 s1, s24  }
0x2f: {  	s13 =	simm.s32 $0x40;
	s10 =	sor.u32 $0x30, s0;
	s5 =	sadd.s32 s0, s1  }
0x30: {  	s28 =	simm.s32 $0x200;
	s9 =	sor.u32 $0x10, s0;
	s12 =	sadd.s32 s10, s1;
	v0 =	vld [tilespmem:s5+$0x0]  }
0x31: {  	s26 =	sand.u32 $0x8000, s8;
	s14 =	sor.u32 $0x20, s0;
	s11 =	sadd.s32 s9, s1;
	v1 =	vld [tilespmem:s12+$0x0]  }
0x32: {  	s8 =	sand.u32 $0x3FFFFC00, s4;
	s16 =	sand.u32 $0xFFFFFF00, s16;
	s1 =	sadd.s32 s14, s1;
	v3 =	vld [tilespmem:s11+$0x0]  }
0x33: {  	s23 =	sor.u32 $0xC00, s26;
	s12 =	sand.u32 $0x40, s13;
	v4 =	vld [tilespmem:s1+$0x0];
	s1 =	sadd.s32 s16, s24  }
0x34: {  	s5 =	sadd.s32 s8, s23;
	s15 =	sadd.s32 s12, s1;
	s29 =	sor.u32 $0x30, s12  }
0x35: {  	s8 =	sadd.s32 s9, s5;
	s9 =	sor.u32 $0x10, s12;
	v5 =	vld [tilespmem:s15+$0x0];
	s4 =	sadd.s32 s29, s1  }
0x36: {  	s21 =	sand.u32 $0x3FFFFC00, s28;
	s16 =	sadd.s32 s0, s5;
	s13 =	sadd.s32 s9, s1;
	v7 =	vld [tilespmem:s4+$0x0]  }
0x37: {  	s26 =	sadd.s32 s14, s5;
	s11 =	sadd.s32 s10, s5;
	s0 =	sadd.s32 s21, s23;
	v2 =	vld [tilespmem:s13+$0x0]  }
0x38: {  	s28 =	sor.u32 $0x20, s12;
	s14 =	simm.s32 $0x100;
	s10 =	sadd.s32 s12, s0;
	v6 =	vld.idx.msk [tilespmem:v0+s2+$0x0], $0xffff  }
0x39: {  	s1 =	sadd.s32 s28, s1;
	s30 =	sadd.s32 s9, s0;
	s28 =	sadd.s32 s28, s0;
	v8 =	vld.idx.msk [tilespmem:v1+s2+$0x0], $0xffff  }
0x3a: {  	s29 =	sadd.s32 s29, s0;
	s0 =	simm.s32 $0x80;
	s5 =	sand.u32 $0xFFFFFF00, s14;
	v9 =	vld.idx.msk [tilespmem:v3+s2+$0x0], $0xffff  }
0x3b: {  	s15 =	simm.s32 $0x400;
	s14 =	sand.u32 $0x40, s0;
	s5 =	sadd.s32 s5, s24;
	v1 =	vld.idx.msk [tilespmem:v4+s2+$0x0], $0xffff  }
0x3c: {  	s31 =	simm.s32 $0x8;
	s12 =	sand.u32 $0x3FFFFC00, s15;
	s21 =	sadd.s32 s14, s5;
	v0 =	vld [tilespmem:s1+$0x0]  }
0x3d: {  	s25 =	sadd.s32 $0x1, s22;
	s13 =	sadd.s32 s12, s23;
	s9 =	sor.u32 $0x20, s14;
	v3 =	vld [tilespmem:s21+$0x0]  }
0x3e: {  	s15 =	sor.u32 $0x10, s14;
	s4 =	sor.u32 $0x30, s14;
	s12 =	sadd.s32 s9, s5;
	v4 =	vld.idx.msk [tilespmem:v5+s2+$0x0], $0xffff;
	[tilespmem:s16+$0x0] =	vst v6  }
0x3f: {  	s1 =	sadd.s32 s14, s13;
	s21 =	sadd.s32 s4, s5;
	s14 =	sadd.s32 s9, s13;
	v5 =	vld.idx.msk [tilespmem:v7+s2+$0x0], $0xffff;
	[tilespmem:s8+$0x0] =	vst v9  }
0x40: {  	s16 =	sadd.s32 s15, s5;
	s8 =	sadd.s32 s15, s13;
	s5 =	sadd.s32 s4, s13;
	v6 =	vld [tilespmem:s21+$0x0];
	[tilespmem:s11+$0x0] =	vst v8  }
.LBB2_5:
0x41: {  	s31 =	sadd.s32 $0x4, s31;
	[tilespmem:s26+$0x0] =	vst v1;
	s4 =	smov.u32 s8;
	s26 =	smov.u32 s28  }
0x42: {  	v7 =	vld [tilespmem:s16+$0x0];
	s28 =	smov.u32 s14;
	s9 =	smov.u32 s29;
	s29 =	smov.u32 s5  }
0x43: {  	s0 =	sadd.s32 $0x40, s0;
	s5 =	sshll.u32 s31, $0x7;
	p0 =	slt.u32 s31, $0x1C;
	v8 =	vld.idx.msk [tilespmem:v2+s2+$0x0], $0xffff  }
0x44: {  	s8 =	sshra.s32 s5, $0x2;
	s5 =	sand.u32 $0x3FFFFC00, s5;
	[tilespmem:s10+$0x0] =	vst v4;
	v1 =	vld.idx.msk [tilespmem:v0+s2+$0x0], $0xffff;
	s10 =	sand.u32 $0x40, s0  }
0x45: {  	s8 =	sand.u32 $0xFFFFFF00, s8;
	s5 =	sadd.s32 s5, s23;
	v0 =	vld [tilespmem:s12+$0x0];
	s11 =	sor.u32 $0x10, s10  }
.Ltmp1:
0x46: {  	s13 =	sor.u32 $0x30, s10;
	s8 =	sadd.s32 s8, s24;
	(pc) =	sbr.rel @p0 .LBB2_5-.Ltmp1, $4  }
0x47: {  	s14 =	sor.u32 $0x20, s10;
	s12 =	sadd.s32 s10, s8;
	s16 =	sadd.s32 s11, s8;
	v4 =	vld.idx.msk [tilespmem:v3+s2+$0x0], $0xffff;
	v2 =	vmov v7;
	v7 =	vmov v5  }
0x48: {  	s15 =	sadd.s32 s10, s5;
	s10 =	sadd.s32 s13, s8;
	v3 =	vld [tilespmem:s12+$0x0];
	s12 =	sadd.s32 s14, s8  }
0x49: {  	s8 =	sadd.s32 s11, s5;
	s14 =	sadd.s32 s14, s5;
	s5 =	sadd.s32 s13, s5;
	v5 =	vld.idx.msk [tilespmem:v6+s2+$0x0], $0xffff;
	[tilespmem:s30+$0x0] =	vst v8  }
0x4a: {  	s30 =	smov.u32 s4;
	v6 =	vld [tilespmem:s10+$0x0];
	[tilespmem:s9+$0x0] =	vst v7;
	s10 =	smov.u32 s1;
	s1 =	smov.u32 s15  }
0x4b: {  	_ = 	snop  }
0x4c: {  	v7 =	vld [tilespmem:s16+$0x0]  }
0x4d: {  	v8 =	vld [tilespmem:s12+$0x0];
	_ =	sdelay $0x2  }
0x4e: {  	v2 =	vld.idx.msk [tilespmem:v2+s2+$0x0], $0xffff  }
0x4f: {  	v0 =	vld.idx.msk [tilespmem:v0+s2+$0x0], $0xffff  }
0x50: {  	[tilespmem:s26+$0x0] =	vst v1;
	v60 =	vld.idx.msk [tilespmem:v3+s2+$0x0], $0xffff  }
0x51: {  	[tilespmem:s10+$0x0] =	vst v4;
	v62 =	vld.idx.msk [tilespmem:v6+s2+$0x0], $0xffff  }
0x52: {  	[tilespmem:s29+$0x0] =	vst v5;
	v61 =	vld.idx.msk [tilespmem:v7+s2+$0x0], $0xffff  }
0x53: {  	[tilespmem:s30+$0x0] =	vst v2;
	v63 =	vld.idx.msk [tilespmem:v8+s2+$0x0], $0xffff  }
0x54: {  	p0 =	sne.s32 s25, $0x62;
	[tilespmem:s28+$0x0] =	vst v0  }
.Ltmp2:
0x55: {  	s0 =	sshll.u32 s22, $0xC;
	[tilespmem:s1+$0x0] =	vst v60;
	(pc) =	sbr.rel @p0 .LBB2_2-.Ltmp2, $4  }
0x56: {  	s0 =	sadd.s32 s0, s7;
	[tilespmem:s5+$0x0] =	vst v62  }
0x57: {  	s0 =	sshrl.u32 s0, $0x3;
	[tilespmem:s8+$0x0] =	vst v61  }
0x58: {  	s22 =	smov.u32 s25;
	s0 =	sadd.s32 s3, s0;
	[tilespmem:s14+$0x0] =	vst v63  }
0x59: {  	[hbm4b:s0+s19] =	stream.strided.scatter [tilespmem:s23], [sflag:$0x2], $0x8000, s20, s19, $0x38;
	[tilespmem:$0x10C00] =	vst v63  }
0x5a: {  	_ =	swait.ge [sflag:s18], $0x8000  }
0x5b: {  	[sflag:s18] =	ssyncset.done $0x0  }
0x5c: {  	[sflag:s18] =	ssyncadd.s32 $0xFFFF8000  }
0x5d: {  	_ =	swait.ge [sflag:s18], $0x8000  }
0x5e: {  	s1 =	rddreg [dreg:$0x9]  }
0x5f: {  	s0 =	rddreg [dreg:$0x5];
	s1 =	sadd.s32 $0x1, s1  }
0x60: {  	p0 =	sne.s32 s1, s0  }
.Ltmp3:
0x61: {  	_ = 	snop;
	(pc) =	sbr.rel @p0 .LBB2_1-.Ltmp3, $3  }
0x62: {  	_ =	sdelay $0x1  }
0x63: {  	[sflag:s18] =	ssyncset.done $0x0  }
0x64: {  	[sflag:s18] =	ssyncadd.s32 $0xFFFF8000  }
0x65: {  	_ =	sfence.sel $0x180000  }
0x66: {  	[bflag:$0x0] =	sbarrier.arrive $0xFFFF  }
0x67: {  	_ =	strace $0x90000047  }
0x68: {  	s0 =	stileid.u32;
	[bflag:$0x2] =	sbarrier.arrive $0xFFFF  }
0x69: {  	p0 =	sne.s32 s0, $0x0;
	s0 =	rddreg [dreg:$0x2]  }
0x6a: {  	s0 =	sadd.s32 @!p0 $0x100000, s0  }
0x6b: {  	[sflag:s0] =	ssyncadd.tile.s32 @!p0 $0x1;
	_ =	shalt  }
.Lfunc_end2:
_tile_overlayer_lowered:
.L_overlay_start_2:
0x6c: {  	(tag) =	ssettag $0x2  }
0x6d: {  	s0 =	rddreg [dreg:$0x0];
	s2 =	stileid.u32  }
0x6e: {  	s1 =	rddreg [dreg:$0x1];
	p0 =	sne.s32 s2, $0x0  }
0x6f: {  	s3 =	rddreg [dreg:$0x2];
	[bflag:$0x3] =	sbarrier.arrive $0xFFFF;
	s2 =	simm.s32 @!p0 $0x1C03  }
0x70: {  	[timem:s3], [sflag:s2] =	dma.local @!p0 [hbm:s0], s1  }
0x71: {  	s0 =	simm.s32 @!p0 $0x3  }
0x72: {  	_ =	swait.ge @!p0 [sflag:s0], s1  }
0x73: {  	s1 =	ssub.s32 @!p0 $0x0, s1;
	[sflag:s0] =	ssyncset.done @!p0 $0x0  }
0x74: {  	[sflag:s0] =	ssyncadd.s32 @!p0 s1  }
0x75: {  	[bflag:$0x3] =	sbarrier.arrive $0xFFFF  }
0x76: {  	_ =	shalt  }

</sc_bundles>
